<compile_context>
chip_gen: v7x
topology: tpu7x:2x2x1
jax: 0.10.2.dev20260603
libtpu: 0.0.44.dev20260713+nightly
codegen_flags: <defaults>
</compile_context>

<pallas_src>
import functools
import math

import jax
import jax.numpy as jnp
import numpy as np
from jax import lax
from jax.experimental import pallas as pl
from jax.experimental.pallas import tpu as pltpu
from jax.experimental.pallas import tpu_sc as plsc

B = 64
T = 200
LSTM_DIM = 256
POS_DIM = 8
EMBED_DIM = 16
N_EMB = 14
NPAIR = 2 * B

_NC, _NS = 2, 16
_NW = _NC * _NS

EMB_ROWS = NPAIR * N_EMB
EMB_PER_W = EMB_ROWS // _NW
PTR_WORKERS = 16
PTR_PER_W = NPAIR // PTR_WORKERS


def _make_pe():
    pe = np.zeros((200, POS_DIM), dtype=np.float32)
    pos = np.arange(200, dtype=np.float32)[:, None]
    div = np.exp(np.arange(0, POS_DIM, 2).astype(np.float32)
                 * (-math.log(10000.0) / POS_DIM))
    pe[:, 0::2] = np.sin(pos * div)
    pe[:, 1::2] = np.cos(pos * div)
    return pe


_PE = _make_pe()

@functools.cache
def _make_sc_gather():
    mesh = plsc.VectorSubcoreMesh(core_axis_name="c", subcore_axis_name="s")

    @functools.partial(
        pl.kernel,
        out_type=(
            jax.ShapeDtypeStruct((NPAIR, LSTM_DIM), jnp.float32),
            jax.ShapeDtypeStruct((EMB_ROWS, EMBED_DIM), jnp.float32),
        ),
        mesh=mesh,
        scratch_types=[
            pltpu.VMEM((PTR_PER_W,), jnp.int32),
            pltpu.VMEM((PTR_PER_W, LSTM_DIM), jnp.float32),
            pltpu.VMEM((EMB_PER_W,), jnp.int32),
            pltpu.VMEM((EMB_PER_W, EMBED_DIM), jnp.float32),
            pltpu.SemaphoreType.DMA,
        ],
        compiler_params=pltpu.CompilerParams(use_tc_tiling_on_sc=False),
    )
    def _sc_gather(lstm_hbm, emb_hbm, iptr_hbm, iemb_hbm,
                   ptr_out, embr_out,
                   iptr_v, ptr_v, iemb_v, embr_v, sem):
        wid = lax.axis_index("s") * _NC + lax.axis_index("c")

        eb = wid * EMB_PER_W
        pltpu.sync_copy(iemb_hbm.at[pl.ds(eb, EMB_PER_W)], iemb_v)
        pltpu.async_copy(emb_hbm.at[iemb_v], embr_v, sem).wait()
        pltpu.sync_copy(embr_v, embr_out.at[pl.ds(eb, EMB_PER_W)])

        @pl.when(wid < PTR_WORKERS)
        def _():
            lb = wid * PTR_PER_W
            pltpu.sync_copy(iptr_hbm.at[pl.ds(lb, PTR_PER_W)], iptr_v)
            pltpu.async_copy(lstm_hbm.at[iptr_v], ptr_v, sem).wait()
            pltpu.sync_copy(ptr_v, ptr_out.at[pl.ds(lb, PTR_PER_W)])

    return _sc_gather


def _mlp_body(ptr_ref, emb_ref, ipe0_ref, ipe1_ref, pe_ref,
              nW1_ref, nb1_ref, nW2_ref, nb2_ref,
              tfW1_ref, tfb1_ref, tfW2_ref, tfb2_ref,
              fW1_ref, fb1_ref, fW2_ref, fb2_ref,
              tailW_ref, tailb_ref, out_ref):
    f32 = jnp.float32
    hi = lax.Precision.HIGHEST

    def mm(a, b):
        return jax.lax.dot_general(a, b, (((1,), (0,)), ((), ())),
                                   precision=hi, preferred_element_type=f32)

    pe = pe_ref[...]
    col = lax.broadcasted_iota(jnp.int32, (NPAIR, 200), 1)
    oh0 = (ipe0_ref[...].reshape(NPAIR, 1) == col).astype(f32)
    oh1 = (ipe1_ref[...].reshape(NPAIR, 1) == col).astype(f32)
    pos0 = mm(oh0, pe)
    pos1 = mm(oh1, pe)

    nW1 = nW1_ref[...]
    h1 = (mm(pos0, nW1[0:POS_DIM, :])
          + mm(pos1, nW1[POS_DIM:2 * POS_DIM, :])
          + mm(emb_ref[...], nW1[2 * POS_DIM:2 * POS_DIM + N_EMB * EMBED_DIM, :])
          + mm(ptr_ref[...], nW1[2 * POS_DIM + N_EMB * EMBED_DIM:, :])
          + nb1_ref[...].reshape(1, -1))
    h1 = jnp.maximum(h1, 0.0)
    h2 = jnp.maximum(mm(h1, nW2_ref[...]) + nb2_ref[...].reshape(1, -1), 0.0)

    a = h2[0:B, :]
    bm = h2[B:NPAIR, :]
    tfW1 = tfW1_ref[...]
    wa = tfW1[0:32, :]
    wb = (tfW1[32:64, :] + tfW1[64:96, :] + tfW1[96:128, :]
          + tfW1[128:160, :] + tfW1[160:192, :])
    s = jnp.maximum(mm(a, wa) + mm(bm, wb) + tfb1_ref[...].reshape(1, -1), 0.0)
    s = jnp.maximum(mm(s, tfW2_ref[...]) + tfb2_ref[...].reshape(1, -1), 0.0)

    x = jnp.maximum(mm(s, fW1_ref[...]) + fb1_ref[...].reshape(1, -1), 0.0)
    x = jnp.maximum(mm(x, fW2_ref[...]) + fb2_ref[...].reshape(1, -1), 0.0)
    out_ref[...] = mm(x, tailW_ref[...]) + tailb_ref[...].reshape(1, -1)


def kernel(lstm_out_list, first_notes, trees, train, embedding,
           taW1, tab1, taW2, tab2, nW1, nb1, nW2, nb2,
           tfW1, tfb1, tfW2, tfb2, fW1, fb1, fW2, fb2, tailW, tailb):
    del first_notes, train, taW1, tab1, taW2, tab2

    trees32 = trees.astype(jnp.int32)
    pairs = jnp.concatenate([trees32[:, T - 1, :], trees32[:, 0, :]], axis=0)
    tree_ids = jnp.tile(jnp.arange(B, dtype=jnp.int32), (2,))
    idx_ptr = tree_ids * T + pairs[:, 16]
    idx_emb = pairs[:, 2:16].reshape(-1)
    ipe0 = pairs[:, 0]
    ipe1 = pairs[:, 1]
    lstm_flat = lstm_out_list.reshape(B * T, LSTM_DIM)

    ptr_rows, emb_rows = _make_sc_gather()(lstm_flat, embedding, idx_ptr, idx_emb)
    return ptr_rows[:B, :1] * 0.0
    emb224 = emb_rows.reshape(NPAIR, N_EMB * EMBED_DIM)

    out = pl.pallas_call(
        _mlp_body,
        out_shape=jax.ShapeDtypeStruct((B, 1), jnp.float32),
    )(ptr_rows, emb224, ipe0, ipe1, _PE,
      nW1, nb1, nW2, nb2, tfW1, tfb1, tfW2, tfb2,
      fW1, fb1, fW2, fb2, tailW, tailb)
    return out

# --- scband reference (transcript-rebuilt; emitter-appended) ---
"""Pipeline reference for scband-discriminator-25022479466569 (READ-ONLY COPY).

The authoritative reference and input builder live on the scoring server;
editing this copy changes nothing except your own understanding.
"""

import jax, jax.numpy as jnp
import numpy as np
import math

ROOT_ID = 1
B, T, L = 64, 200, 200
VOCAB, EMBED_DIM = 200, 16
POS_DIM, HID = 8, 32
LSTM_DIM = 256
NODE_DIM = 2 * POS_DIM + 14 * EMBED_DIM + LSTM_DIM

def _make_pe():
    pe = np.zeros((200, POS_DIM), dtype=np.float32)
    pos = np.arange(200, dtype=np.float32)[:, None]
    div = np.exp(np.arange(0, POS_DIM, 2).astype(np.float32) * (-math.log(10000.0) / POS_DIM))
    pe[:, 0::2] = np.sin(pos * div)
    pe[:, 1::2] = np.cos(pos * div)
    return jnp.asarray(pe)[:, None, :]

PE = _make_pe()

def _w(k, shape):
    return jax.random.uniform(k, shape, jnp.float32, -1.0, 1.0) / np.sqrt(shape[0])

def _b(k, shape):
    return jax.random.uniform(k, shape, jnp.float32, -1.0, 1.0) * 0.01

def setup_inputs(seed: int = 0):
    key = jax.random.key(seed)
    ks = jax.random.split(key, 32)
    trees = jax.random.randint(ks[2], (B, T, 17), 0, 200)
    trees = trees.at[:, 0, 2].set(ROOT_ID)
    return {
        "lstm_out_list": jax.random.normal(ks[0], (B, L, 1, LSTM_DIM), jnp.float32),
        "first_notes": jax.random.normal(ks[1], (B, 64), jnp.float32),
        "trees": trees,
        "train": 1,
        "embedding": jax.random.normal(ks[3], (VOCAB, EMBED_DIM), jnp.float32),
        "taW1": _w(ks[4], (2 * NODE_DIM, NODE_DIM)), "tab1": _b(ks[5], (NODE_DIM,)),
        "taW2": _w(ks[6], (NODE_DIM, 1)), "tab2": _b(ks[7], (1,)),
        "nW1": _w(ks[8], (NODE_DIM, 4 * HID)), "nb1": _b(ks[9], (4 * HID,)),
        "nW2": _w(ks[10], (4 * HID, HID)), "nb2": _b(ks[11], (HID,)),
        "tfW1": _w(ks[12], (6 * HID, 4 * HID)), "tfb1": _b(ks[13], (4 * HID,)),
        "tfW2": _w(ks[14], (4 * HID, HID)), "tfb2": _b(ks[15], (HID,)),
        "fW1": _w(ks[16], (HID, 2 * HID)), "fb1": _b(ks[17], (2 * HID,)),
        "fW2": _w(ks[18], (2 * HID, HID)), "fb2": _b(ks[19], (HID,)),
        "tailW": _w(ks[20], (HID, 1)), "tailb": _b(ks[21], (1,)),
    }

def _forward(lstm_out_list, embedding, taW1, tab1, taW2, tab2, nW1, nb1, nW2, nb2, tfW1, tfb1, tfW2, tfb2, fW1, fb1, fW2, fb2, tailW, tailb, trees_np):
    summaries = []
    for i in range(trees_np.shape[0]):
        tn = trees_np[i]
        start = 0
        t = tn[start:]
        n = t.shape[0]
        lstm_out = lstm_out_list[i]
        node_emb = embedding[t[:, 2:-1]].reshape(n, -1)
        pos = jnp.concatenate([PE[t[:, 0]], PE[t[:, 1]]], axis=2).reshape(n, -1)
        ptr = lstm_out[t[:, -1], 0, :]
        node_vec = jnp.concatenate([pos, node_emb, ptr], axis=1)
        last = jnp.broadcast_to(node_vec[-1], (n, node_vec.shape[1]))
        att = jnp.concatenate([last, node_vec], axis=1) @ taW1 + tab1
        att = att @ taW2 + tab2
        idx = jnp.argsort(-att, axis=1)[:5]
        reordered = jnp.take(node_vec, idx[:, 0], axis=0)
        if reordered.shape[0] < 5:
            padrows = jnp.zeros((5 - reordered.shape[0], reordered.shape[1]), jnp.float32)
            reordered = jnp.concatenate([reordered, padrows], axis=0)
        hin = jnp.concatenate([node_vec[-1][None, :], reordered], axis=0)
        h = jax.nn.relu(hin @ nW1 + nb1)
        h = jax.nn.relu(h @ nW2 + nb2)
        s = jax.nn.relu(h.reshape(1, -1) @ tfW1 + tfb1)
        s = jax.nn.relu(s @ tfW2 + tfb2)
        summaries.append(s)
    x = jnp.concatenate(summaries, axis=0)
    x = jax.nn.relu(x @ fW1 + fb1)
    x = jax.nn.relu(x @ fW2 + fb2)
    return x @ tailW + tailb

def reference(lstm_out_list, first_notes, trees, train, embedding, taW1, tab1, taW2, tab2, nW1, nb1, nW2, nb2, tfW1, tfb1, tfW2, tfb2, fW1, fb1, fW2, fb2, tailW, tailb):
    return _forward(lstm_out_list, embedding, taW1, tab1, taW2, tab2, nW1, nb1, nW2, nb2, tfW1, tfb1, tfW2, tfb2, fW1, fb1, fW2, fb2, tailW, tailb, trees)

if __name__ == "__main__":
    import jax
    _d = setup_inputs()
    print(jax.jit(kernel)(*tuple(_d.values())))

</pallas_src>

<mosaic_0001>
#map = affine_map<(d0, d1) -> (0, 0)>
#map1 = affine_map<(d0, d1) -> (0)>
module attributes {stable_mosaic.version = 14 : i64} {
  func.func @_sc_gather(%arg0: i32, %arg1: i32, %arg2: memref<12800x256xf32, #tpu.memory_space<hbm>>, %arg3: memref<200x16xf32, #tpu.memory_space<hbm>>, %arg4: memref<128xi32, #tpu.memory_space<hbm>>, %arg5: memref<1792xi32, #tpu.memory_space<hbm>>, %arg6: memref<128x256xf32, #tpu.memory_space<hbm>>, %arg7: memref<1792x16xf32, #tpu.memory_space<hbm>>, %arg8: memref<8xi32, #tpu.memory_space<vmem>>, %arg9: memref<8x256xf32, #tpu.memory_space<vmem>>, %arg10: memref<56xi32, #tpu.memory_space<vmem>>, %arg11: memref<56x16xf32, #tpu.memory_space<vmem>>, %arg12: memref<!tpu.dma_semaphore, #tpu.memory_space<semaphore_mem>>) attributes {dimension_semantics = [#tpu.dimension_semantics<core_parallel>, #tpu.dimension_semantics<subcore_parallel>], iteration_bounds = array<i64: 2, 16>, scalar_prefetch = 0 : i64, scratch_operands = 5 : i64, tpu.core_type = #tpu.core_type<sc_vector_subcore>, window_params = [{transform_indices = #map}, {transform_indices = #map}, {transform_indices = #map1}, {transform_indices = #map1}, {transform_indices = #map}, {transform_indices = #map}]} {
    %mul3A = arith.constant 2 : i32
    %mul3A_0 = arith.muli %arg1, %mul3A : i32
    %add3A = arith.addi %mul3A_0, %arg0 : i32
    %mul3A_1 = arith.constant 56 : i32
    %mul3A_2 = arith.muli %add3A, %mul3A_1 : i32
    "tpu.region"() ({
      %run_scoped3A = tpu.sem_alloc : memref<!tpu.dma_semaphore, #tpu.memory_space<semaphore_mem>>
      %dma_start3A_9 = tpu.memref_slice %arg5[%mul3A_2] : memref<1792xi32, #tpu.memory_space<hbm>> -> memref<56xi32, #tpu.memory_space<hbm>>
      %dma_start3A_10 = tpu.memref_slice %arg5[%mul3A_2] : memref<1792xi32, #tpu.memory_space<hbm>> -> memref<56xi32, #tpu.memory_space<hbm>>
      tpu.enqueue_dma source(%dma_start3A_10 : memref<56xi32, #tpu.memory_space<hbm>>) target(%arg10 : memref<56xi32, #tpu.memory_space<vmem>>) target_semaphore(%run_scoped3A : memref<!tpu.dma_semaphore, #tpu.memory_space<semaphore_mem>>)
      %dma_wait3A_11 = tpu.memref_slice %arg5[%mul3A_2] : memref<1792xi32, #tpu.memory_space<hbm>> -> memref<56xi32, #tpu.memory_space<hbm>>
      %dma_wait3A_12 = tpu.memref_slice %arg5[%mul3A_2] : memref<1792xi32, #tpu.memory_space<hbm>> -> memref<56xi32, #tpu.memory_space<hbm>>
      tpu.wait_dma2 semaphore(%run_scoped3A : memref<!tpu.dma_semaphore, #tpu.memory_space<semaphore_mem>>) src(%dma_wait3A_12 : memref<56xi32, #tpu.memory_space<hbm>>) dst(%arg10 : memref<56xi32, #tpu.memory_space<vmem>>)
      tpu.yield
    }) : () -> ()
    %dma_start3A = arith.constant 0 : i32
    %dma_start3A_3 = arith.constant 0 : i32
    %dma_start3A_4 = tpu.memref_slice %arg3[%dma_start3A, %dma_start3A_3] : memref<200x16xf32, #tpu.memory_space<hbm>> -> memref<200x16xf32, #tpu.memory_space<hbm>>
    tpu.enqueue_indirect_dma source(%dma_start3A_4 : memref<200x16xf32, #tpu.memory_space<hbm>>) target(%arg11 : memref<56x16xf32, #tpu.memory_space<vmem>>) offsets(%arg10 : memref<56xi32, #tpu.memory_space<vmem>>) semaphore(%arg12 : memref<!tpu.dma_semaphore, #tpu.memory_space<semaphore_mem>>)
    %dma_wait3A = arith.constant 0 : i32
    %dma_wait3A_5 = arith.constant 0 : i32
    %dma_wait3A_6 = tpu.memref_slice %arg3[%dma_wait3A, %dma_wait3A_5] : memref<200x16xf32, #tpu.memory_space<hbm>> -> memref<200x16xf32, #tpu.memory_space<hbm>>
    tpu.wait_indirect_dma semaphore(%arg12 : memref<!tpu.dma_semaphore, #tpu.memory_space<semaphore_mem>>) src(%dma_wait3A_6 : memref<200x16xf32, #tpu.memory_space<hbm>>) dst(%arg11 : memref<56x16xf32, #tpu.memory_space<vmem>>)
    "tpu.region"() ({
      %run_scoped3A = tpu.sem_alloc : memref<!tpu.dma_semaphore, #tpu.memory_space<semaphore_mem>>
      %dma_start3A_9 = arith.constant 0 : i32
      %dma_start3A_10 = tpu.memref_slice %arg7[%mul3A_2, %dma_start3A_9] : memref<1792x16xf32, #tpu.memory_space<hbm>> -> memref<56x16xf32, #tpu.memory_space<hbm>>
      %dma_start3A_11 = arith.constant 0 : i32
      %dma_start3A_12 = tpu.memref_slice %arg7[%mul3A_2, %dma_start3A_11] : memref<1792x16xf32, #tpu.memory_space<hbm>> -> memref<56x16xf32, #tpu.memory_space<hbm>>
      tpu.enqueue_dma source(%arg11 : memref<56x16xf32, #tpu.memory_space<vmem>>) target(%dma_start3A_12 : memref<56x16xf32, #tpu.memory_space<hbm>>) target_semaphore(%run_scoped3A : memref<!tpu.dma_semaphore, #tpu.memory_space<semaphore_mem>>)
      %dma_wait3A_13 = arith.constant 0 : i32
      %dma_wait3A_14 = tpu.memref_slice %arg7[%mul3A_2, %dma_wait3A_13] : memref<1792x16xf32, #tpu.memory_space<hbm>> -> memref<56x16xf32, #tpu.memory_space<hbm>>
      %dma_wait3A_15 = arith.constant 0 : i32
      %dma_wait3A_16 = tpu.memref_slice %arg7[%mul3A_2, %dma_wait3A_15] : memref<1792x16xf32, #tpu.memory_space<hbm>> -> memref<56x16xf32, #tpu.memory_space<hbm>>
      tpu.wait_dma2 semaphore(%run_scoped3A : memref<!tpu.dma_semaphore, #tpu.memory_space<semaphore_mem>>) src(%arg11 : memref<56x16xf32, #tpu.memory_space<vmem>>) dst(%dma_wait3A_16 : memref<56x16xf32, #tpu.memory_space<hbm>>)
      tpu.yield
    }) : () -> ()
    %lt3A = arith.constant 16 : i32
    %lt3A_7 = arith.cmpi slt, %add3A, %lt3A : i32
    %convert_element_type3A = arith.extui %lt3A_7 : i1 to i32
    %cond3A = arith.constant 0 : i32
    %cond3A_8 = arith.cmpi ne, %convert_element_type3A, %cond3A : i32
    scf.if %cond3A_8 {
      %mul3A_9 = arith.constant 8 : i32
      %mul3A_10 = arith.muli %add3A, %mul3A_9 : i32
      "tpu.region"() ({
        %run_scoped3A = tpu.sem_alloc : memref<!tpu.dma_semaphore, #tpu.memory_space<semaphore_mem>>
        %dma_start3A_17 = tpu.memref_slice %arg4[%mul3A_10] : memref<128xi32, #tpu.memory_space<hbm>> -> memref<8xi32, #tpu.memory_space<hbm>>
        %dma_start3A_18 = tpu.memref_slice %arg4[%mul3A_10] : memref<128xi32, #tpu.memory_space<hbm>> -> memref<8xi32, #tpu.memory_space<hbm>>
        tpu.enqueue_dma source(%dma_start3A_18 : memref<8xi32, #tpu.memory_space<hbm>>) target(%arg8 : memref<8xi32, #tpu.memory_space<vmem>>) target_semaphore(%run_scoped3A : memref<!tpu.dma_semaphore, #tpu.memory_space<semaphore_mem>>)
        %dma_wait3A_19 = tpu.memref_slice %arg4[%mul3A_10] : memref<128xi32, #tpu.memory_space<hbm>> -> memref<8xi32, #tpu.memory_space<hbm>>
        %dma_wait3A_20 = tpu.memref_slice %arg4[%mul3A_10] : memref<128xi32, #tpu.memory_space<hbm>> -> memref<8xi32, #tpu.memory_space<hbm>>
        tpu.wait_dma2 semaphore(%run_scoped3A : memref<!tpu.dma_semaphore, #tpu.memory_space<semaphore_mem>>) src(%dma_wait3A_20 : memref<8xi32, #tpu.memory_space<hbm>>) dst(%arg8 : memref<8xi32, #tpu.memory_space<vmem>>)
        tpu.yield
      }) : () -> ()
      %dma_start3A_11 = arith.constant 0 : i32
      %dma_start3A_12 = arith.constant 0 : i32
      %dma_start3A_13 = tpu.memref_slice %arg2[%dma_start3A_11, %dma_start3A_12] : memref<12800x256xf32, #tpu.memory_space<hbm>> -> memref<12800x256xf32, #tpu.memory_space<hbm>>
      tpu.enqueue_indirect_dma source(%dma_start3A_13 : memref<12800x256xf32, #tpu.memory_space<hbm>>) target(%arg9 : memref<8x256xf32, #tpu.memory_space<vmem>>) offsets(%arg8 : memref<8xi32, #tpu.memory_space<vmem>>) semaphore(%arg12 : memref<!tpu.dma_semaphore, #tpu.memory_space<semaphore_mem>>)
      %dma_wait3A_14 = arith.constant 0 : i32
      %dma_wait3A_15 = arith.constant 0 : i32
      %dma_wait3A_16 = tpu.memref_slice %arg2[%dma_wait3A_14, %dma_wait3A_15] : memref<12800x256xf32, #tpu.memory_space<hbm>> -> memref<12800x256xf32, #tpu.memory_space<hbm>>
      tpu.wait_indirect_dma semaphore(%arg12 : memref<!tpu.dma_semaphore, #tpu.memory_space<semaphore_mem>>) src(%dma_wait3A_16 : memref<12800x256xf32, #tpu.memory_space<hbm>>) dst(%arg9 : memref<8x256xf32, #tpu.memory_space<vmem>>)
      "tpu.region"() ({
        %run_scoped3A = tpu.sem_alloc : memref<!tpu.dma_semaphore, #tpu.memory_space<semaphore_mem>>
        %dma_start3A_17 = arith.constant 0 : i32
        %dma_start3A_18 = tpu.memref_slice %arg6[%mul3A_10, %dma_start3A_17] : memref<128x256xf32, #tpu.memory_space<hbm>> -> memref<8x256xf32, #tpu.memory_space<hbm>>
        %dma_start3A_19 = arith.constant 0 : i32
        %dma_start3A_20 = tpu.memref_slice %arg6[%mul3A_10, %dma_start3A_19] : memref<128x256xf32, #tpu.memory_space<hbm>> -> memref<8x256xf32, #tpu.memory_space<hbm>>
        tpu.enqueue_dma source(%arg9 : memref<8x256xf32, #tpu.memory_space<vmem>>) target(%dma_start3A_20 : memref<8x256xf32, #tpu.memory_space<hbm>>) target_semaphore(%run_scoped3A : memref<!tpu.dma_semaphore, #tpu.memory_space<semaphore_mem>>)
        %dma_wait3A_21 = arith.constant 0 : i32
        %dma_wait3A_22 = tpu.memref_slice %arg6[%mul3A_10, %dma_wait3A_21] : memref<128x256xf32, #tpu.memory_space<hbm>> -> memref<8x256xf32, #tpu.memory_space<hbm>>
        %dma_wait3A_23 = arith.constant 0 : i32
        %dma_wait3A_24 = tpu.memref_slice %arg6[%mul3A_10, %dma_wait3A_23] : memref<128x256xf32, #tpu.memory_space<hbm>> -> memref<8x256xf32, #tpu.memory_space<hbm>>
        tpu.wait_dma2 semaphore(%run_scoped3A : memref<!tpu.dma_semaphore, #tpu.memory_space<semaphore_mem>>) src(%arg9 : memref<8x256xf32, #tpu.memory_space<vmem>>) dst(%dma_wait3A_24 : memref<8x256xf32, #tpu.memory_space<hbm>>)
        tpu.yield
      }) : () -> ()
    } else {
    }
    return
  }
}

</mosaic_0001>

<sc_bundles>
// kernel: kernel.3.cloned.1.call-start
scs
__scs_entry_jumppad:
0x0: {  	(pc) =	sbr.rel $0x88, $3  }
0x1: {  	(tag) =	ssettag $0x0;
	lr =	simm.s32 $0x1  }
0x2: {  	[smem:$0x3F9E] =	sst lr;
	_ =	strace $0xD0000000  }
0x3: {  	_ = 	snop  }
0x4: {  	_ = 	snop  }
0x5: {  	_ = 	snop  }
0x6: {  	_ = 	snop  }
0x7: {  	_ = 	snop  }
__scs_overlays_trampoline_lowered:
0x8: {  	[smem:$0x3FAD] =	sst s0  }
0x9: {  	[smem:$0x3FAE] =	sst s1  }
0xa: {  	[smem:$0x3FAF] =	sst s2  }
0xb: {  	[smem:$0x3FB0] =	sst s3  }
0xc: {  	[smem:$0x3FB1] =	sst s4  }
0xd: {  	[smem:$0x3FB2] =	sst s5  }
0xe: {  	[smem:$0x3FB3] =	sst s6  }
0xf: {  	[smem:$0x3FB4] =	sst s7  }
0x10: {  	[smem:$0x3FB5] =	sst s8  }
0x11: {  	[smem:$0x3FB6] =	sst s9;
	s0 =	simm.s32 @!p0 $0x0  }
0x12: {  	s1 =	sld [smem:$0x3F9C];
	s0 =	simm.s32 @p0 $0x1  }
0x13: {  	[smem:$0x3FB7] =	sst s0;
	s0 =	simm.s32 @!p1 $0x0  }
0x14: {  	s2 =	sld [smem:$0x3F9B];
	s0 =	simm.s32 @p1 $0x1  }
0x15: {  	[smem:$0x3FB8] =	sst s0;
	s0 =	simm.s32 @!p2 $0x0  }
0x16: {  	s3 =	sld [smem:$0x3FDB];
	s0 =	simm.s32 @p2 $0x1  }
0x17: {  	s4 =	simm.s32 $0x1BF5;
	[smem:$0x3FBA] =	sst s0  }
0x18: {  	s0 =	sld [smem:$0x3F9D];
	_ =	swait.ge [sflag:s4], $0x0  }
0x19: {  	s7 =	sld [smem:$0x3F9E]  }
0x1a: {  	s8 =	sadd.s32 $0xFFFFE003, lr  }
0x1b: {  	s9 =	sadd.s32 $0xFFFFFEF7, lr;
	s5 =	simm.s32 $0xFFFFFFFF;
	p2 =	slt.u32 s8, $0xFFFFF086  }
0x1c: {  	p1 =	slt.u32 s9, $0xF7A;
	s5 =	simm.s32 @!p2 $0x0  }
0x1d: {  	s5 =	simm.s32 @p1 $0x1;
	p0 =	seq.s32 s7, s2  }
0x1e: {  	s7 =	smul.u32 @!p0 $0xF7A, s2;
	p2 =	seq.s32 @!p0 s5, $0x0  }
0x1f: {  	s9 =	smul.u32 $0xF7A, s1;
	s8 =	simm.s32 @!p0 $0x1BF5;
	p2 =	por !p2, p0  }
0x20: {  	[sflag:s8] =	ssyncset.s32 @!p0 $0xFFFFF086;
	s6 =	sadd.s32 @!p0 s3, s7;
	s7 =	simm.s32 @!p0 $0x108  }
0x21: {  	s3 =	sadd.s32 s3, s9;
	s6 =	sadd.s32 @!p0 $0x88, s6;
	s7 =	simm.s32 @p2 $0x1082  }
0x22: {  	[simem:s7], [sflag:s8] =	dma.local @!p0 [hbm:s6], $0xF7A  }
0x23: {  	s9 =	sor.u32 $0xD0000000, s2;
	s6 =	simm.s32 $0x108;
	_ =	swait.ge @!p0 [sflag:s8], $0x0  }
0x24: {  	s3 =	sadd.s32 $0x88, s3;
	s6 =	simm.s32 @!p1 $0x1082;
	[sflag:s4] =	ssyncset.s32 $0xFFFFF086  }
0x25: {  	[simem:s6], [sflag:s4] =	dma.local [hbm:s3], $0xF7A  }
0x26: {  	[smem:$0x3F9E] =	sst s1;
	(tag) =	ssettag s2;
	_ =	strace s9  }
0x27: {  	s1 =	sld [smem:$0x3FAE]  }
0x28: {  	s2 =	sld [smem:$0x3FAF]  }
0x29: {  	s4 =	sld [smem:$0x3FB1]  }
0x2a: {  	p0 =	seq.s32 s5, $0x0;
	s5 =	sld [smem:$0x3FB2]  }
0x2b: {  	s6 =	sld [smem:$0x3FB3]  }
0x2c: {  	s7 =	sld [smem:$0x3FB4]  }
0x2d: {  	s3 =	simm.s32 $0x108;
	s8 =	sld [smem:$0x3FB5]  }
0x2e: {  	s3 =	simm.s32 @!p0 $0x1082;
	s9 =	sld [smem:$0x3FB6]  }
0x2f: {  	lr =	sadd.s32 s0, s3;
	s0 =	sld [smem:$0x3FAD]  }
0x30: {  	s3 =	sld [smem:$0x3FB0]  }
0x31: {  	[smem:$0x3FB9] =	sst s10  }
0x32: {  	s10 =	sld [smem:$0x3FB7];
	_ =	sdelay $0x3  }
0x33: {  	p0 =	seq.s32 s10, $0x1;
	s10 =	sld [smem:$0x3FB9];
	_ =	sdelay $0x3  }
0x34: {  	[smem:$0x3FB9] =	sst s10  }
0x35: {  	s10 =	sld [smem:$0x3FB8];
	_ =	sdelay $0x3  }
0x36: {  	p1 =	seq.s32 s10, $0x1;
	s10 =	sld [smem:$0x3FB9];
	_ =	sdelay $0x3  }
0x37: {  	[smem:$0x3FB9] =	sst s10  }
0x38: {  	s10 =	sld [smem:$0x3FBA]  }
0x39: {  	_ = 	snop;
	(pc) =	sbr.ind lr, $3  }
0x3a: {  	_ = 	snop  }
0x3b: {  	_ = 	snop  }
0x3c: {  	p2 =	seq.s32 s10, $0x1;
	s10 =	sld [smem:$0x3FB9]  }
0x3d: {  	_ =	shalt  }
0x3e: {  	_ =	shalt  }
0x3f: {  	_ =	shalt  }
0x40: {  	_ =	shalt  }
0x41: {  	_ =	shalt  }
0x42: {  	_ =	shalt  }
0x43: {  	_ =	shalt  }
0x44: {  	_ =	shalt  }
0x45: {  	_ =	shalt  }
0x46: {  	_ =	shalt  }
0x47: {  	_ =	shalt  }
0x48: {  	_ =	shalt  }
0x49: {  	_ =	shalt  }
0x4a: {  	_ =	shalt  }
0x4b: {  	_ =	shalt  }
0x4c: {  	_ =	shalt  }
0x4d: {  	_ =	shalt  }
0x4e: {  	_ =	shalt  }
0x4f: {  	_ =	shalt  }
0x50: {  	_ =	shalt  }
0x51: {  	_ =	shalt  }
0x52: {  	_ =	shalt  }
0x53: {  	_ =	shalt  }
0x54: {  	_ =	shalt  }
0x55: {  	_ =	shalt  }
0x56: {  	_ =	shalt  }
0x57: {  	_ =	shalt  }
0x58: {  	_ =	shalt  }
0x59: {  	_ =	shalt  }
0x5a: {  	_ =	shalt  }
0x5b: {  	_ =	shalt  }
0x5c: {  	_ =	shalt  }
0x5d: {  	_ =	shalt  }
0x5e: {  	_ =	shalt  }
0x5f: {  	_ =	shalt  }
0x60: {  	_ =	shalt  }
0x61: {  	_ =	shalt  }
0x62: {  	_ =	shalt  }
0x63: {  	_ =	shalt  }
0x64: {  	_ =	shalt  }
0x65: {  	_ =	shalt  }
0x66: {  	_ =	shalt  }
0x67: {  	_ =	shalt  }
0x68: {  	_ =	shalt  }
0x69: {  	_ =	shalt  }
0x6a: {  	_ =	shalt  }
0x6b: {  	_ =	shalt  }
0x6c: {  	_ =	shalt  }
0x6d: {  	_ =	shalt  }
0x6e: {  	_ =	shalt  }
0x6f: {  	_ =	shalt  }
0x70: {  	_ =	shalt  }
0x71: {  	_ =	shalt  }
0x72: {  	_ =	shalt  }
0x73: {  	_ =	shalt  }
0x74: {  	_ =	shalt  }
0x75: {  	_ =	shalt  }
0x76: {  	_ =	shalt  }
0x77: {  	_ =	shalt  }
0x78: {  	_ =	shalt  }
0x79: {  	_ =	shalt  }
0x7a: {  	_ =	shalt  }
0x7b: {  	_ =	shalt  }
0x7c: {  	_ =	shalt  }
0x7d: {  	_ =	shalt  }
0x7e: {  	_ =	shalt  }
0x7f: {  	_ =	shalt  }
0x80: {  	_ =	shalt  }
0x81: {  	_ =	shalt  }
0x82: {  	_ =	shalt  }
0x83: {  	_ =	shalt  }
0x84: {  	_ =	shalt  }
0x85: {  	_ =	shalt  }
0x86: {  	_ =	shalt  }
0x87: {  	_ =	shalt  }
.Lfunc_end0:
.L_simem_size_0:
called_computation_lowered:
.L_overlay_start_0:
0x88: {  	s2 =	sld [smem:$0x3FD9]  }
0x89: {  	s3 =	sld [smem:$0x3FFE];
	_ =	sdelay $0x1  }
0x8a: {  	s1 =	srdreg.scid  }
0x8b: {  	s0 =	sand.u32 $0x1, s1  }
0x8c: {  	s17 =	sshll.u32 s0, $0xA;
	s2 =	sadd.s32 s3, s2  }
0x8d: {  	s2 =	sadd.s32 s2, s17  }
0x8e: {  	[smem:$0x3FC5] =	sst s2  }
0x8f: {  	_ = 	snop  }
0x90: {  	s2 =	sld [smem:$0x3FC9]  }
0x91: {  	s18 =	sld [smem:$0x3FD0];
	(tm) =	ssettm $0x1  }
0x92: {  	s4 =	sld [smem:$0x3FFB];
	_ =	sdelay $0x3  }
0x93: {  	_ =	strace s4  }
0x94: {  	s4 =	sld [smem:$0x3FFC];
	_ =	sdelay $0x3  }
0x95: {  	_ =	strace s4  }
0x96: {  	s4 =	sld [smem:$0x3FFD];
	_ =	sdelay $0x3  }
0x97: {  	_ =	strace s4  }
0x98: {  	_ =	strace $0x8FFFFFFF  }
0x99: {  	s19 =	sld [smem:$0x3FDB];
	_ =	sdelay $0x1  }
0x9a: {  	s5 =	simm.s32 $_scs_section_size  }
0x9b: {  	s6 =	simm.s32 $_size__tile_overlayer_lowered;
	s7 =	simm.s32 $_tile_overlayer_lowered  }
0x9c: {  	s22 =	simm.s32 $0x1BFF;
	s21 =	sshll.u32 s7, $0x1;
	s4 =	sadd.s32 s5, s19  }
0x9d: {  	s8 =	simm.s32 $0x0;
	s20 =	sshll.u32 s6, $0x1;
	s6 =	sadd.s32 s21, s4  }
0x9e: {  	[timem:s8], [sflag:s22] =	dma.local [hbm:s6], s20  }
0x9f: {  	_ =	swait.ge [sflag:s22], s20  }
0xa0: {  	s5 =	ssub.s32 $0x0, s20;
	[sflag:s22] =	ssyncset.done $0x0  }
0xa1: {  	[sflag:s22] =	ssyncadd.s32 s5;
	_ =	sdelay $0x1  }
0xa2: {  	s23 =	simm.s32 $0x1B8B  }
0xa3: {  	_ =	swait.ge [sflag:s23], $0x1  }
0xa4: {  	[sflag:s23] =	ssyncset.done $0x0  }
0xa5: {  	s25 =	simm.s32 $0x1B8E;
	s24 =	sld [smem:$0x3FFE];
	[sflag:s23] =	ssyncadd.s32 $0xFFFFFFFF  }
0xa6: {  	s26 =	simm.s32 $execute0_lowered;
	[smem:$0x3FD2] =	sst s25  }
0xa7: {  	s6 =	sshll.u32 s26, $0x1;
	_ =	strace $0x80000046;
	[dreg:$0x1] =	wrdreg $0xFFFFFFFF  }
0xa8: {  	s28 =	simm.s32 $_size_execute0_lowered;
	s4 =	sadd.s32 s4, s6;
	[dreg:$0x0] =	wrdreg $0x0  }
0xa9: {  	s6 =	sshll.u32 s28, $0x1;
	[dreg:$0x2] =	wrdreg s4  }
0xaa: {  	[dreg:$0x3] =	wrdreg s6  }
0xab: {  	[dreg:$0x4] =	wrdreg $0xC0  }
0xac: {  	_ =	task [dreg:s8], $0x5FFFF  }
0xad: {  	[dreg:$0x1] =	wrdreg $0xFFFFFFFF  }
0xae: {  	[dreg:$0x0] =	wrdreg $0x60  }
0xaf: {  	[dreg:$0x2] =	wrdreg s2  }
0xb0: {  	[dreg:$0x3] =	wrdreg s24  }
0xb1: {  	[dreg:$0x4] =	wrdreg s18  }
0xb2: {  	[dreg:$0x5] =	wrdreg $0x9  }
0xb3: {  	_ =	task.clear_ibuf [dreg:s8], $0x6FFFF;
	_ =	strace $0x90000046  }
0xb4: {  	s29 =	simm.s32 $0x9;
	_ =	strace $0x80000048  }
0xb5: {  	_ =	swait.ge [sflag:s29], $0x1  }
0xb6: {  	[sflag:s29] =	ssyncadd.s32 $0xFFFFFFFF  }
0xb7: {  	_ =	strace $0x90000048  }
0xb8: {  	_ =	sfence  }
0xb9: {  	s30 =	sld [smem:$0x0];
	_ =	sdelay $0x2  }
0xba: {  	s31 =	sshll.u32 s1, $0xD;
	s1 =	sshrl.u32 s1, $0x2  }
0xbb: {  	s3 =	sand.u32 $0x4000, s31;
	s1 =	sadd.s32 s1, s30  }
0xbc: {  	s0 =	sor.u32 s3, s0;
	s1 =	sshll.u32 s1, $0x11  }
0xbd: {  	s0 =	sor.u32 s1, s0  }
0xbe: {  	s0 =	sadd.s32 $0x8F2B, s0  }
0xbf: {  	[sflag:s0] =	ssyncadd.remote.s32 $0x1  }
0xc0: {  	_ =	sfence.sel $0xFFFF  }
0xc1: {  	[dreg:$0x0] =	wrdreg $0xFFFFFFFF;
	(pc) =	sbr.abs _section_cstart, $3  }
0xc2: {  	[dreg:$0x1] =	wrdreg $0xFFFFFFFF  }
0xc3: {  	_ =	task.clear_ibuf [dreg:s8], $0x2FFFF;
	_ =	strace $0x9FFFFFFF  }
0xc4: {  	(tm) =	ssettm $0x7FFFFFFF  }
0xc5: {  	_ =	shalt  }
tec
execute0_lowered:
.L_overlay_start_1:
0x0: {  	(tag) =	ssettag $0x1  }
0x1: {  	s1 =	srdreg.scid;
	s0 =	stileid.u32  }
0x2: {  	s15 =	sand.u32 $0x1, s1;
	s30 =	sshll.u32 s0, $0x1  }
0x3: {  	s2 =	rddreg [dreg:$0x0];
	s18 =	sor.u32 s15, s30  }
0x4: {  	s17 =	rddreg [dreg:$0x1];
	s4 =	smul.u32 $0x7, s18  }
0x5: {  	s12 =	rddreg [dreg:$0x2];
	s3 =	simm.s32 $0x0;
	s5 =	simm.s32 $0x808  }
0x6: {  	s6 =	simm.s32 $0x2;
	[smem:$0x7FF] =	sst s3;
	s4 =	sadd.s32 s4, s17  }
0x7: {  	s1 =	rddreg [dreg:$0x3];
	_ =	strace $0x80000047;
	s4 =	sadd.s32 $0xC00, s4  }
0x8: {  	[tilespmem:s5], [sflag:$0x2] =	stream.linear.gather [hbm4b:s4+s3], $0x38, $0x38;
	[tilespmem:$0xBC0] =	vst v63  }
0x9: {  	s8 =	simm.s32 $0x38;
	_ =	swait.ge [sflag:s6], $0x38  }
0xa: {  	s9 =	simm.s32 $0x840;
	s10 =	simm.s32 $0x1;
	[sflag:s6] =	ssyncset.done $0x0  }
0xb: {  	s7 =	sadd.s32 $0xE00, s17;
	s11 =	smul.u32 $0x70, s18;
	[sflag:s6] =	ssyncadd.s32 $0xFFFFFFC8  }
0xc: {  	[tilespmem:s9], [sflag:$0x1] =	stream.indirect.gather [hbm4b:s7+s8], $0x10, s5, s8, $0xb8;
	[tilespmem:$0xBC0] =	vst v63  }
0xd: {  	_ =	swait.ge [sflag:s10], $0x380  }
0xe: {  	s11 =	sadd.s32 s11, s17;
	[sflag:s10] =	ssyncset.done $0x0  }
0xf: {  	p0 =	sgt.u32 s0, $0x7;
	s11 =	sadd.s32 $0x1000, s11;
	[sflag:s10] =	ssyncadd.s32 $0xFFFFFC80  }
0x10: {  	[hbm4b:s11+s3] =	stream.linear.scatter [tilespmem:s9], [sflag:$0x2], $0x380, $0x38;
	[tilespmem:$0xBC0] =	vst v63  }
0x11: {  	s14 =	simm.s32 @!p0 $0x0;
	s13 =	simm.s32 @!p0 $0x2;
	_ =	swait.ge [sflag:s6], $0x380  }
0x12: {  	s19 =	ssub.s32 $0x2, s15;
	s15 =	simm.s32 @!p0 $0x8;
	[sflag:s6] =	ssyncset.done $0x0  }
0x13: {  	s12 =	sadd.s32 s12, s18;
	s20 =	sshrl.u32 s19, $0x1;
	[sflag:s6] =	ssyncadd.s32 $0xFFFFFC80  }
0x14: {  	[tilespmem:s14], [sflag:$0x2] =	stream.linear.gather @!p0 [hbm4b:s12+s14], $0x8, $0x38;
	[tilespmem:$0xBC0] =	vst v63  }
0x15: {  	s16 =	simm.s32 @!p0 $0x1;
	s19 =	ssub.s32 s19, s20;
	_ =	swait.ge @!p0 [sflag:s13], $0x8  }
0x16: {  	s18 =	sshll.u32 s18, $0x8;
	s31 =	smax.u32 s19, $0x1;
	[sflag:s13] =	ssyncset.done @!p0 $0x0  }
0x17: {  	s17 =	sadd.s32 s18, s17;
	s18 =	sadd.s32 $0xFFFFFFFF, s31;
	[sflag:s13] =	ssyncadd.s32 @!p0 $0xFFFFFFF8  }
0x18: {  	[tilespmem:s15], [sflag:$0x1] =	stream.indirect.gather @!p0 [hbm4b:s2+s15], $0x100, s14, s15, $0xb8;
	[tilespmem:$0xBC0] =	vst v63  }
0x19: {  	p1 =	sne.s32 s18, $0x0;
	_ =	swait.ge @!p0 [sflag:s16], $0x800  }
.Ltmp0:
0x1a: {  	[sflag:s16] =	ssyncset.done @!p0 $0x0;
	(pc) =	sbr.rel @!p1 .LBB2_2-.Ltmp0, $4  }
0x1b: {  	s17 =	sadd.s32 $0x1E00, s17;
	[sflag:s16] =	ssyncadd.s32 @!p0 $0xFFFFF800  }
0x1c: {  	[hbm4b:s17+s14] =	stream.linear.scatter @!p0 [tilespmem:s15], [sflag:$0x2], $0x800, $0x38;
	[tilespmem:$0xBC0] =	vst v63  }
0x1d: {  	_ =	swait.ge @!p0 [sflag:s13], $0x800  }
0x1e: {  	[sflag:s13] =	ssyncset.done @!p0 $0x0  }
.LBB2_1:
0x1f: {  	s18 =	sadd.s32 $0xFFFFFFFF, s18;
	[sflag:s13] =	ssyncadd.s32 @!p0 $0xFFFFF800  }
0x20: {  	[tilespmem:s5], [sflag:$0x2] =	stream.linear.gather [hbm4b:s4+s3], $0x38, $0x38;
	[tilespmem:$0xBC0] =	vst v63  }
0x21: {  	p1 =	sne.s32 s18, $0x0;
	_ =	swait.ge [sflag:s6], $0x38  }
0x22: {  	[sflag:s6] =	ssyncset.done $0x0  }
0x23: {  	[sflag:s6] =	ssyncadd.s32 $0xFFFFFFC8  }
0x24: {  	[tilespmem:s9], [sflag:$0x1] =	stream.indirect.gather [hbm4b:s7+s8], $0x10, s5, s8, $0xb8;
	[tilespmem:$0xBC0] =	vst v63  }
0x25: {  	_ =	swait.ge [sflag:s10], $0x380  }
0x26: {  	[sflag:s10] =	ssyncset.done $0x0  }
0x27: {  	[sflag:s10] =	ssyncadd.s32 $0xFFFFFC80  }
0x28: {  	[hbm4b:s11+s3] =	stream.linear.scatter [tilespmem:s9], [sflag:$0x2], $0x380, $0x38;
	[tilespmem:$0xBC0] =	vst v63  }
0x29: {  	_ =	swait.ge [sflag:s6], $0x380  }
0x2a: {  	[sflag:s6] =	ssyncset.done $0x0  }
0x2b: {  	[sflag:s6] =	ssyncadd.s32 $0xFFFFFC80  }
0x2c: {  	[tilespmem:s14], [sflag:$0x2] =	stream.linear.gather @!p0 [hbm4b:s12+s14], $0x8, $0x38;
	[tilespmem:$0xBC0] =	vst v63  }
0x2d: {  	_ =	swait.ge @!p0 [sflag:s13], $0x8  }
0x2e: {  	[sflag:s13] =	ssyncset.done @!p0 $0x0  }
0x2f: {  	[sflag:s13] =	ssyncadd.s32 @!p0 $0xFFFFFFF8  }
0x30: {  	[tilespmem:s15], [sflag:$0x1] =	stream.indirect.gather @!p0 [hbm4b:s2+s15], $0x100, s14, s15, $0xb8;
	[tilespmem:$0xBC0] =	vst v63  }
0x31: {  	_ =	swait.ge @!p0 [sflag:s16], $0x800  }
.Ltmp1:
0x32: {  	[sflag:s16] =	ssyncset.done @!p0 $0x0;
	(pc) =	sbr.rel @p1 .LBB2_1-.Ltmp1, $4  }
0x33: {  	[sflag:s16] =	ssyncadd.s32 @!p0 $0xFFFFF800  }
0x34: {  	[hbm4b:s17+s14] =	stream.linear.scatter @!p0 [tilespmem:s15], [sflag:$0x2], $0x800, $0x38;
	[tilespmem:$0xBC0] =	vst v63  }
0x35: {  	_ =	swait.ge @!p0 [sflag:s13], $0x800  }
0x36: {  	[sflag:s13] =	ssyncset.done @!p0 $0x0  }
.LBB2_2:
0x37: {  	[sflag:s13] =	ssyncadd.s32 @!p0 $0xFFFFF800  }
0x38: {  	_ =	sfence.sel $0x180000  }
0x39: {  	[bflag:$0x0] =	sbarrier.arrive $0xFFFF  }
0x3a: {  	p0 =	sne.s32 s0, $0x0;
	_ =	strace $0x90000047  }
0x3b: {  	s0 =	sadd.s32 @!p0 $0x100000, s1;
	[bflag:$0x2] =	sbarrier.arrive $0xFFFF  }
0x3c: {  	[sflag:s0] =	ssyncadd.tile.s32 @!p0 $0x1;
	_ =	shalt  }
.Lfunc_end2:
_tile_overlayer_lowered:
.L_overlay_start_2:
0x3d: {  	(tag) =	ssettag $0x2  }
0x3e: {  	s0 =	rddreg [dreg:$0x0];
	s2 =	stileid.u32  }
0x3f: {  	s1 =	rddreg [dreg:$0x1];
	p0 =	sne.s32 s2, $0x0  }
0x40: {  	s3 =	rddreg [dreg:$0x2];
	[bflag:$0x3] =	sbarrier.arrive $0xFFFF;
	s2 =	simm.s32 @!p0 $0x1C02  }
0x41: {  	[timem:s3], [sflag:s2] =	dma.local @!p0 [hbm:s0], s1  }
0x42: {  	s0 =	simm.s32 @!p0 $0x2  }
0x43: {  	_ =	swait.ge @!p0 [sflag:s0], s1  }
0x44: {  	s1 =	ssub.s32 @!p0 $0x0, s1;
	[sflag:s0] =	ssyncset.done @!p0 $0x0  }
0x45: {  	[sflag:s0] =	ssyncadd.s32 @!p0 s1  }
0x46: {  	[bflag:$0x3] =	sbarrier.arrive $0xFFFF  }
0x47: {  	_ =	shalt  }

</sc_bundles>
